<compile_context>
chip_gen: v7x
topology: tpu7x:2x2x1
jax: 0.10.2.dev20260603
libtpu: 0.0.44.dev20260713+nightly
codegen_flags: <defaults>
</compile_context>

<pallas_src>
import functools

import jax
import jax.numpy as jnp
from jax import lax
from jax.experimental import pallas as pl
from jax.experimental.pallas import tpu as pltpu
from jax.experimental.pallas import tpu_sc as plsc

_TEMP = 0.05
_B = 4096
_D = 32
_DP = 128
_R = _DP // _D

_NC, _NS = 2, 16
_NW = _NC * _NS
_BPW = _B // _NW


@functools.cache
def _make_sc_gather():
    mesh = plsc.VectorSubcoreMesh(core_axis_name="c", subcore_axis_name="s")

    @functools.partial(
        pl.kernel,
        mesh=mesh,
        out_type=[
            jax.ShapeDtypeStruct((_R * _B, _D), jnp.float32),
            jax.ShapeDtypeStruct((_R * _B, _D), jnp.float32),
        ],
        scratch_types=[
            pltpu.VMEM((_BPW,), jnp.int32),
            pltpu.VMEM((_BPW,), jnp.int32),
            pltpu.VMEM((_BPW, _D), jnp.float32),
            pltpu.VMEM((_BPW,), jnp.int32),
            pltpu.VMEM((_BPW, _D), jnp.float32),
            pltpu.SemaphoreType.DMA,
            pltpu.SemaphoreType.DMA,
        ],
        compiler_params=pltpu.CompilerParams(
            use_tc_tiling_on_sc=False,
            disable_bounds_checks=True,
            disable_semaphore_checks=True,
        ),
    )
    def _sc_gather(u_ids_hbm, i_ids_hbm, u_table_hbm, i_table_hbm,
                   u_out, i_out, sidx_v, u_idx_v, u_rows_v,
                   i_idx_v, i_rows_v, u_sem, i_sem):
        wid = lax.axis_index("s") * _NC + lax.axis_index("c")
        base = wid * _BPW
        u_icp = pltpu.async_copy(u_ids_hbm.at[pl.ds(base, _BPW)], u_idx_v, u_sem)
        i_icp = pltpu.async_copy(i_ids_hbm.at[pl.ds(base, _BPW)], i_idx_v, i_sem)
        for j in range(_BPW // 16):
            sidx_v[pl.ds(j * 16, 16)] = (
                (base + j * 16 + jnp.arange(16, dtype=jnp.int32)) * _R)
        u_icp.wait()
        u_cp = pltpu.async_copy(u_table_hbm.at[u_idx_v], u_rows_v, u_sem)
        i_icp.wait()
        i_cp = pltpu.async_copy(i_table_hbm.at[i_idx_v], i_rows_v, i_sem)
        u_cp.wait()
        u_ocp = pltpu.async_copy(u_rows_v, u_out.at[sidx_v], u_sem)
        i_cp.wait()
        i_ocp = pltpu.async_copy(i_rows_v, i_out.at[sidx_v], i_sem)
        u_ocp.wait()
        i_ocp.wait()

    return _sc_gather


_TM = 512


def _lane_mask(x):
    lane = lax.broadcasted_iota(jnp.int32, x.shape, 1)
    return jnp.where(lane < _D, x, 0.0)


def _tc_dot_body(g_ref, h_ref, out_ref, hn_ref):
    @pl.when(pl.program_id(0) == 0)
    def _():
        h = _lane_mask(h_ref[...])
        sh = jnp.sum(h * h, axis=1, keepdims=True)
        hn_ref[...] = (h * lax.rsqrt(jnp.maximum(sh, 1e-24))
                       ).astype(jnp.bfloat16)

    g = _lane_mask(g_ref[...])
    sg = jnp.sum(g * g, axis=1, keepdims=True)
    gn = (g * ((1.0 / _TEMP) * lax.rsqrt(jnp.maximum(sg, 1e-24)))
          ).astype(jnp.bfloat16)
    out_ref[...] = lax.dot_general(
        gn, hn_ref[...], (((1,), (1,)), ((), ())),
        preferred_element_type=jnp.float32)


def _tc_matmul(g, h):
    return pl.pallas_call(
        _tc_dot_body,
        grid=(_B // _TM,),
        in_specs=[
            pl.BlockSpec((_TM, _DP), lambda b: (b, 0)),
            pl.BlockSpec((_B, _DP), lambda b: (0, 0)),
        ],
        out_specs=pl.BlockSpec((_TM, _B), lambda b: (b, 0)),
        out_shape=jax.ShapeDtypeStruct((_B, _B), jnp.float32),
        scratch_shapes=[pltpu.VMEM((_B, _DP), jnp.bfloat16)],
    )(g, h)


def _read_probe_body(g_ref, h_ref, out_ref):
    gs = jnp.sum(g_ref[...], axis=0, keepdims=True)
    hs = jnp.sum(h_ref[...], axis=0, keepdims=True)
    out_ref[...] = jnp.broadcast_to(gs + hs, (8, _D))


def kernel(u_ids, i_ids, u_table, i_table):
    g4, h4 = _make_sc_gather()(u_ids, i_ids, u_table, i_table)
    return pl.pallas_call(
        _read_probe_body,
        in_specs=[pl.BlockSpec((_B, _D), lambda: (0, 0)),
                  pl.BlockSpec((_B, _D), lambda: (0, 0))],
        out_specs=pl.BlockSpec((8, _D), lambda: (0, 0)),
        grid=(),
        out_shape=jax.ShapeDtypeStruct((8, _D), jnp.float32),
    )(g4[: _B], h4[: _B])

# --- scband reference (transcript-rebuilt; emitter-appended) ---
"""Pipeline reference for scband-two-tower-86938728005917 (READ-ONLY COPY).

The authoritative reference and input builder live on the scoring server;
editing this copy changes nothing except your own understanding.
"""

import jax, jax.numpy as jnp
import numpy as np

TEMP = 0.05

def setup_inputs(seed: int = 0) -> dict:
    key = jax.random.key(seed)
    k1, k2, k3, k4 = jax.random.split(key, 4)
    u_ids = jax.random.randint(k1, (4096,), 0, 7176, dtype=jnp.int64) if jax.config.jax_enable_x64 else jax.random.randint(k1, (4096,), 0, 7176).astype(jnp.int32)
    i_ids = jax.random.randint(k2, (4096,), 0, 10728).astype(jnp.int32)
    u_ids = u_ids.astype(jnp.int32)
    u_table = jax.random.normal(k3, (7176, 32), dtype=jnp.float32)
    i_table = jax.random.normal(k4, (10728, 32), dtype=jnp.float32)
    return {"u_ids": u_ids, "i_ids": i_ids, "u_table": u_table, "i_table": i_table}

def _l2norm(x, eps=1e-12):
    n = jnp.linalg.norm(x, axis=-1, keepdims=True)
    return x / jnp.maximum(n, eps)

def reference(u_ids, i_ids, u_table, i_table):
    u = jnp.take(u_table, u_ids, axis=0)
    i = jnp.take(i_table, i_ids, axis=0)
    u = _l2norm(u)
    i = _l2norm(i)
    logits = (u @ i.T) / TEMP
    return logits

if __name__ == "__main__":
    import jax
    _d = setup_inputs()
    print(jax.jit(kernel)(*tuple(_d.values())))

</pallas_src>

<mosaic_0001>
#map = affine_map<(d0, d1) -> (0)>
#map1 = affine_map<(d0, d1) -> (0, 0)>
module attributes {stable_mosaic.version = 14 : i64} {
  func.func @_sc_gather(%arg0: i32, %arg1: i32, %arg2: memref<4096xi32, #tpu.memory_space<hbm>>, %arg3: memref<4096xi32, #tpu.memory_space<hbm>>, %arg4: memref<7176x32xf32, #tpu.memory_space<hbm>>, %arg5: memref<10728x32xf32, #tpu.memory_space<hbm>>, %arg6: memref<16384x32xf32, #tpu.memory_space<hbm>>, %arg7: memref<16384x32xf32, #tpu.memory_space<hbm>>, %arg8: memref<128xi32, #tpu.memory_space<vmem>>, %arg9: memref<128xi32, #tpu.memory_space<vmem>>, %arg10: memref<128x32xf32, #tpu.memory_space<vmem>>, %arg11: memref<128xi32, #tpu.memory_space<vmem>>, %arg12: memref<128x32xf32, #tpu.memory_space<vmem>>, %arg13: memref<!tpu.dma_semaphore, #tpu.memory_space<semaphore_mem>>, %arg14: memref<!tpu.dma_semaphore, #tpu.memory_space<semaphore_mem>>) attributes {dimension_semantics = [#tpu.dimension_semantics<core_parallel>, #tpu.dimension_semantics<subcore_parallel>], iteration_bounds = array<i64: 2, 16>, scalar_prefetch = 0 : i64, scratch_operands = 7 : i64, tpu.core_type = #tpu.core_type<sc_vector_subcore>, window_params = [{transform_indices = #map}, {transform_indices = #map}, {transform_indices = #map1}, {transform_indices = #map1}, {transform_indices = #map1}, {transform_indices = #map1}]} {
    %mul3A = arith.constant 2 : i32
    %mul3A_0 = arith.muli %arg1, %mul3A : i32
    %add3A = arith.addi %mul3A_0, %arg0 : i32
    %mul3A_1 = arith.constant 128 : i32
    %mul3A_2 = arith.muli %add3A, %mul3A_1 : i32
    %dma_start3A = tpu.memref_slice %arg2[%mul3A_2] : memref<4096xi32, #tpu.memory_space<hbm>> -> memref<128xi32, #tpu.memory_space<hbm>>
    %dma_start3A_3 = tpu.memref_slice %arg2[%mul3A_2] : memref<4096xi32, #tpu.memory_space<hbm>> -> memref<128xi32, #tpu.memory_space<hbm>>
    tpu.enqueue_dma source(%dma_start3A_3 : memref<128xi32, #tpu.memory_space<hbm>>) target(%arg9 : memref<128xi32, #tpu.memory_space<vmem>>) target_semaphore(%arg13 : memref<!tpu.dma_semaphore, #tpu.memory_space<semaphore_mem>>)
    %dma_start3A_4 = tpu.memref_slice %arg3[%mul3A_2] : memref<4096xi32, #tpu.memory_space<hbm>> -> memref<128xi32, #tpu.memory_space<hbm>>
    %dma_start3A_5 = tpu.memref_slice %arg3[%mul3A_2] : memref<4096xi32, #tpu.memory_space<hbm>> -> memref<128xi32, #tpu.memory_space<hbm>>
    tpu.enqueue_dma source(%dma_start3A_5 : memref<128xi32, #tpu.memory_space<hbm>>) target(%arg11 : memref<128xi32, #tpu.memory_space<vmem>>) target_semaphore(%arg14 : memref<!tpu.dma_semaphore, #tpu.memory_space<semaphore_mem>>)
    %add3A_6 = arith.constant 0 : i32
    %add3A_7 = arith.addi %mul3A_2, %add3A_6 : i32
    %iota3A = tpu.iota {dimensions = array<i32: 0>} : vector<16xi32>
    %add3A_8 = vector.broadcast %add3A_7 : i32 to vector<16xi32>
    %add3A_9 = arith.addi %add3A_8, %iota3A : vector<16xi32>
    %mul3A_10 = arith.constant 4 : i32
    %mul3A_11 = vector.broadcast %mul3A_10 : i32 to vector<16xi32>
    %mul3A_12 = arith.muli %add3A_9, %mul3A_11 : vector<16xi32>
    %swap3A = arith.constant 0 : index
    %swap3A_13 = tpu.vector_load %arg8[%swap3A] {strides = array<i32>} : memref<128xi32, #tpu.memory_space<vmem>>, vector<16xi32>,
    %swap3A_14 = vector.shape_cast %swap3A_13 : vector<16xi32> to vector<16xi32>
    %swap3A_15 = vector.shape_cast %mul3A_12 : vector<16xi32> to vector<16xi32>
    tpu.vector_store %arg8[%swap3A], %swap3A_15 {strides = array<i32>} : memref<128xi32, #tpu.memory_space<vmem>>, vector<16xi32>,
    %add3A_16 = arith.constant 16 : i32
    %add3A_17 = arith.addi %mul3A_2, %add3A_16 : i32
    %iota3A_18 = tpu.iota {dimensions = array<i32: 0>} : vector<16xi32>
    %add3A_19 = vector.broadcast %add3A_17 : i32 to vector<16xi32>
    %add3A_20 = arith.addi %add3A_19, %iota3A_18 : vector<16xi32>
    %mul3A_21 = arith.constant 4 : i32
    %mul3A_22 = vector.broadcast %mul3A_21 : i32 to vector<16xi32>
    %mul3A_23 = arith.muli %add3A_20, %mul3A_22 : vector<16xi32>
    %swap3A_24 = arith.constant 16 : index
    %swap3A_25 = tpu.vector_load %arg8[%swap3A_24] {strides = array<i32>} : memref<128xi32, #tpu.memory_space<vmem>>, vector<16xi32>,
    %swap3A_26 = vector.shape_cast %swap3A_25 : vector<16xi32> to vector<16xi32>
    %swap3A_27 = vector.shape_cast %mul3A_23 : vector<16xi32> to vector<16xi32>
    tpu.vector_store %arg8[%swap3A_24], %swap3A_27 {strides = array<i32>} : memref<128xi32, #tpu.memory_space<vmem>>, vector<16xi32>,
    %add3A_28 = arith.constant 32 : i32
    %add3A_29 = arith.addi %mul3A_2, %add3A_28 : i32
    %iota3A_30 = tpu.iota {dimensions = array<i32: 0>} : vector<16xi32>
    %add3A_31 = vector.broadcast %add3A_29 : i32 to vector<16xi32>
    %add3A_32 = arith.addi %add3A_31, %iota3A_30 : vector<16xi32>
    %mul3A_33 = arith.constant 4 : i32
    %mul3A_34 = vector.broadcast %mul3A_33 : i32 to vector<16xi32>
    %mul3A_35 = arith.muli %add3A_32, %mul3A_34 : vector<16xi32>
    %swap3A_36 = arith.constant 32 : index
    %swap3A_37 = tpu.vector_load %arg8[%swap3A_36] {strides = array<i32>} : memref<128xi32, #tpu.memory_space<vmem>>, vector<16xi32>,
    %swap3A_38 = vector.shape_cast %swap3A_37 : vector<16xi32> to vector<16xi32>
    %swap3A_39 = vector.shape_cast %mul3A_35 : vector<16xi32> to vector<16xi32>
    tpu.vector_store %arg8[%swap3A_36], %swap3A_39 {strides = array<i32>} : memref<128xi32, #tpu.memory_space<vmem>>, vector<16xi32>,
    %add3A_40 = arith.constant 48 : i32
    %add3A_41 = arith.addi %mul3A_2, %add3A_40 : i32
    %iota3A_42 = tpu.iota {dimensions = array<i32: 0>} : vector<16xi32>
    %add3A_43 = vector.broadcast %add3A_41 : i32 to vector<16xi32>
    %add3A_44 = arith.addi %add3A_43, %iota3A_42 : vector<16xi32>
    %mul3A_45 = arith.constant 4 : i32
    %mul3A_46 = vector.broadcast %mul3A_45 : i32 to vector<16xi32>
    %mul3A_47 = arith.muli %add3A_44, %mul3A_46 : vector<16xi32>
    %swap3A_48 = arith.constant 48 : index
    %swap3A_49 = tpu.vector_load %arg8[%swap3A_48] {strides = array<i32>} : memref<128xi32, #tpu.memory_space<vmem>>, vector<16xi32>,
    %swap3A_50 = vector.shape_cast %swap3A_49 : vector<16xi32> to vector<16xi32>
    %swap3A_51 = vector.shape_cast %mul3A_47 : vector<16xi32> to vector<16xi32>
    tpu.vector_store %arg8[%swap3A_48], %swap3A_51 {strides = array<i32>} : memref<128xi32, #tpu.memory_space<vmem>>, vector<16xi32>,
    %add3A_52 = arith.constant 64 : i32
    %add3A_53 = arith.addi %mul3A_2, %add3A_52 : i32
    %iota3A_54 = tpu.iota {dimensions = array<i32: 0>} : vector<16xi32>
    %add3A_55 = vector.broadcast %add3A_53 : i32 to vector<16xi32>
    %add3A_56 = arith.addi %add3A_55, %iota3A_54 : vector<16xi32>
    %mul3A_57 = arith.constant 4 : i32
    %mul3A_58 = vector.broadcast %mul3A_57 : i32 to vector<16xi32>
    %mul3A_59 = arith.muli %add3A_56, %mul3A_58 : vector<16xi32>
    %swap3A_60 = arith.constant 64 : index
    %swap3A_61 = tpu.vector_load %arg8[%swap3A_60] {strides = array<i32>} : memref<128xi32, #tpu.memory_space<vmem>>, vector<16xi32>,
    %swap3A_62 = vector.shape_cast %swap3A_61 : vector<16xi32> to vector<16xi32>
    %swap3A_63 = vector.shape_cast %mul3A_59 : vector<16xi32> to vector<16xi32>
    tpu.vector_store %arg8[%swap3A_60], %swap3A_63 {strides = array<i32>} : memref<128xi32, #tpu.memory_space<vmem>>, vector<16xi32>,
    %add3A_64 = arith.constant 80 : i32
    %add3A_65 = arith.addi %mul3A_2, %add3A_64 : i32
    %iota3A_66 = tpu.iota {dimensions = array<i32: 0>} : vector<16xi32>
    %add3A_67 = vector.broadcast %add3A_65 : i32 to vector<16xi32>
    %add3A_68 = arith.addi %add3A_67, %iota3A_66 : vector<16xi32>
    %mul3A_69 = arith.constant 4 : i32
    %mul3A_70 = vector.broadcast %mul3A_69 : i32 to vector<16xi32>
    %mul3A_71 = arith.muli %add3A_68, %mul3A_70 : vector<16xi32>
    %swap3A_72 = arith.constant 80 : index
    %swap3A_73 = tpu.vector_load %arg8[%swap3A_72] {strides = array<i32>} : memref<128xi32, #tpu.memory_space<vmem>>, vector<16xi32>,
    %swap3A_74 = vector.shape_cast %swap3A_73 : vector<16xi32> to vector<16xi32>
    %swap3A_75 = vector.shape_cast %mul3A_71 : vector<16xi32> to vector<16xi32>
    tpu.vector_store %arg8[%swap3A_72], %swap3A_75 {strides = array<i32>} : memref<128xi32, #tpu.memory_space<vmem>>, vector<16xi32>,
    %add3A_76 = arith.constant 96 : i32
    %add3A_77 = arith.addi %mul3A_2, %add3A_76 : i32
    %iota3A_78 = tpu.iota {dimensions = array<i32: 0>} : vector<16xi32>
    %add3A_79 = vector.broadcast %add3A_77 : i32 to vector<16xi32>
    %add3A_80 = arith.addi %add3A_79, %iota3A_78 : vector<16xi32>
    %mul3A_81 = arith.constant 4 : i32
    %mul3A_82 = vector.broadcast %mul3A_81 : i32 to vector<16xi32>
    %mul3A_83 = arith.muli %add3A_80, %mul3A_82 : vector<16xi32>
    %swap3A_84 = arith.constant 96 : index
    %swap3A_85 = tpu.vector_load %arg8[%swap3A_84] {strides = array<i32>} : memref<128xi32, #tpu.memory_space<vmem>>, vector<16xi32>,
    %swap3A_86 = vector.shape_cast %swap3A_85 : vector<16xi32> to vector<16xi32>
    %swap3A_87 = vector.shape_cast %mul3A_83 : vector<16xi32> to vector<16xi32>
    tpu.vector_store %arg8[%swap3A_84], %swap3A_87 {strides = array<i32>} : memref<128xi32, #tpu.memory_space<vmem>>, vector<16xi32>,
    %add3A_88 = arith.constant 112 : i32
    %add3A_89 = arith.addi %mul3A_2, %add3A_88 : i32
    %iota3A_90 = tpu.iota {dimensions = array<i32: 0>} : vector<16xi32>
    %add3A_91 = vector.broadcast %add3A_89 : i32 to vector<16xi32>
    %add3A_92 = arith.addi %add3A_91, %iota3A_90 : vector<16xi32>
    %mul3A_93 = arith.constant 4 : i32
    %mul3A_94 = vector.broadcast %mul3A_93 : i32 to vector<16xi32>
    %mul3A_95 = arith.muli %add3A_92, %mul3A_94 : vector<16xi32>
    %swap3A_96 = arith.constant 112 : index
    %swap3A_97 = tpu.vector_load %arg8[%swap3A_96] {strides = array<i32>} : memref<128xi32, #tpu.memory_space<vmem>>, vector<16xi32>,
    %swap3A_98 = vector.shape_cast %swap3A_97 : vector<16xi32> to vector<16xi32>
    %swap3A_99 = vector.shape_cast %mul3A_95 : vector<16xi32> to vector<16xi32>
    tpu.vector_store %arg8[%swap3A_96], %swap3A_99 {strides = array<i32>} : memref<128xi32, #tpu.memory_space<vmem>>, vector<16xi32>,
    %dma_wait3A = tpu.memref_slice %arg2[%mul3A_2] : memref<4096xi32, #tpu.memory_space<hbm>> -> memref<128xi32, #tpu.memory_space<hbm>>
    %dma_wait3A_100 = tpu.memref_slice %arg2[%mul3A_2] : memref<4096xi32, #tpu.memory_space<hbm>> -> memref<128xi32, #tpu.memory_space<hbm>>
    tpu.wait_dma2 semaphore(%arg13 : memref<!tpu.dma_semaphore, #tpu.memory_space<semaphore_mem>>) src(%dma_wait3A_100 : memref<128xi32, #tpu.memory_space<hbm>>) dst(%arg9 : memref<128xi32, #tpu.memory_space<vmem>>)
    %dma_start3A_101 = arith.constant 0 : i32
    %dma_start3A_102 = arith.constant 0 : i32
    %dma_start3A_103 = tpu.memref_slice %arg4[%dma_start3A_101, %dma_start3A_102] : memref<7176x32xf32, #tpu.memory_space<hbm>> -> memref<7176x32xf32, #tpu.memory_space<hbm>>
    tpu.enqueue_indirect_dma source(%dma_start3A_103 : memref<7176x32xf32, #tpu.memory_space<hbm>>) target(%arg10 : memref<128x32xf32, #tpu.memory_space<vmem>>) offsets(%arg9 : memref<128xi32, #tpu.memory_space<vmem>>) semaphore(%arg13 : memref<!tpu.dma_semaphore, #tpu.memory_space<semaphore_mem>>)
    %dma_wait3A_104 = tpu.memref_slice %arg3[%mul3A_2] : memref<4096xi32, #tpu.memory_space<hbm>> -> memref<128xi32, #tpu.memory_space<hbm>>
    %dma_wait3A_105 = tpu.memref_slice %arg3[%mul3A_2] : memref<4096xi32, #tpu.memory_space<hbm>> -> memref<128xi32, #tpu.memory_space<hbm>>
    tpu.wait_dma2 semaphore(%arg14 : memref<!tpu.dma_semaphore, #tpu.memory_space<semaphore_mem>>) src(%dma_wait3A_105 : memref<128xi32, #tpu.memory_space<hbm>>) dst(%arg11 : memref<128xi32, #tpu.memory_space<vmem>>)
    %dma_start3A_106 = arith.constant 0 : i32
    %dma_start3A_107 = arith.constant 0 : i32
    %dma_start3A_108 = tpu.memref_slice %arg5[%dma_start3A_106, %dma_start3A_107] : memref<10728x32xf32, #tpu.memory_space<hbm>> -> memref<10728x32xf32, #tpu.memory_space<hbm>>
    tpu.enqueue_indirect_dma source(%dma_start3A_108 : memref<10728x32xf32, #tpu.memory_space<hbm>>) target(%arg12 : memref<128x32xf32, #tpu.memory_space<vmem>>) offsets(%arg11 : memref<128xi32, #tpu.memory_space<vmem>>) semaphore(%arg14 : memref<!tpu.dma_semaphore, #tpu.memory_space<semaphore_mem>>)
    %dma_wait3A_109 = arith.constant 0 : i32
    %dma_wait3A_110 = arith.constant 0 : i32
    %dma_wait3A_111 = tpu.memref_slice %arg4[%dma_wait3A_109, %dma_wait3A_110] : memref<7176x32xf32, #tpu.memory_space<hbm>> -> memref<7176x32xf32, #tpu.memory_space<hbm>>
    tpu.wait_indirect_dma semaphore(%arg13 : memref<!tpu.dma_semaphore, #tpu.memory_space<semaphore_mem>>) src(%dma_wait3A_111 : memref<7176x32xf32, #tpu.memory_space<hbm>>) dst(%arg10 : memref<128x32xf32, #tpu.memory_space<vmem>>)
    %dma_start3A_112 = arith.constant 0 : i32
    %dma_start3A_113 = arith.constant 0 : i32
    %dma_start3A_114 = tpu.memref_slice %arg6[%dma_start3A_112, %dma_start3A_113] : memref<16384x32xf32, #tpu.memory_space<hbm>> -> memref<16384x32xf32, #tpu.memory_space<hbm>>
    tpu.enqueue_indirect_dma source(%arg10 : memref<128x32xf32, #tpu.memory_space<vmem>>) target(%dma_start3A_114 : memref<16384x32xf32, #tpu.memory_space<hbm>>) offsets(%arg8 : memref<128xi32, #tpu.memory_space<vmem>>) semaphore(%arg13 : memref<!tpu.dma_semaphore, #tpu.memory_space<semaphore_mem>>)
    %dma_wait3A_115 = arith.constant 0 : i32
    %dma_wait3A_116 = arith.constant 0 : i32
    %dma_wait3A_117 = tpu.memref_slice %arg5[%dma_wait3A_115, %dma_wait3A_116] : memref<10728x32xf32, #tpu.memory_space<hbm>> -> memref<10728x32xf32, #tpu.memory_space<hbm>>
    tpu.wait_indirect_dma semaphore(%arg14 : memref<!tpu.dma_semaphore, #tpu.memory_space<semaphore_mem>>) src(%dma_wait3A_117 : memref<10728x32xf32, #tpu.memory_space<hbm>>) dst(%arg12 : memref<128x32xf32, #tpu.memory_space<vmem>>)
    %dma_start3A_118 = arith.constant 0 : i32
    %dma_start3A_119 = arith.constant 0 : i32
    %dma_start3A_120 = tpu.memref_slice %arg7[%dma_start3A_118, %dma_start3A_119] : memref<16384x32xf32, #tpu.memory_space<hbm>> -> memref<16384x32xf32, #tpu.memory_space<hbm>>
    tpu.enqueue_indirect_dma source(%arg12 : memref<128x32xf32, #tpu.memory_space<vmem>>) target(%dma_start3A_120 : memref<16384x32xf32, #tpu.memory_space<hbm>>) offsets(%arg8 : memref<128xi32, #tpu.memory_space<vmem>>) semaphore(%arg14 : memref<!tpu.dma_semaphore, #tpu.memory_space<semaphore_mem>>)
    %dma_wait3A_121 = arith.constant 0 : i32
    %dma_wait3A_122 = arith.constant 0 : i32
    %dma_wait3A_123 = tpu.memref_slice %arg6[%dma_wait3A_121, %dma_wait3A_122] : memref<16384x32xf32, #tpu.memory_space<hbm>> -> memref<16384x32xf32, #tpu.memory_space<hbm>>
    tpu.wait_indirect_dma semaphore(%arg13 : memref<!tpu.dma_semaphore, #tpu.memory_space<semaphore_mem>>) src(%arg10 : memref<128x32xf32, #tpu.memory_space<vmem>>) dst(%dma_wait3A_123 : memref<16384x32xf32, #tpu.memory_space<hbm>>)
    %dma_wait3A_124 = arith.constant 0 : i32
    %dma_wait3A_125 = arith.constant 0 : i32
    %dma_wait3A_126 = tpu.memref_slice %arg7[%dma_wait3A_124, %dma_wait3A_125] : memref<16384x32xf32, #tpu.memory_space<hbm>> -> memref<16384x32xf32, #tpu.memory_space<hbm>>
    tpu.wait_indirect_dma semaphore(%arg14 : memref<!tpu.dma_semaphore, #tpu.memory_space<semaphore_mem>>) src(%arg12 : memref<128x32xf32, #tpu.memory_space<vmem>>) dst(%dma_wait3A_126 : memref<16384x32xf32, #tpu.memory_space<hbm>>)
    return
  }
}

module attributes {stable_mosaic.version = 14 : i64} {
  func.func @_read_probe_body(%arg0: memref<4096x32xf32, #tpu.memory_space<vmem>>, %arg1: memref<4096x32xf32, #tpu.memory_space<vmem>>, %arg2: memref<8x32xf32, #tpu.memory_space<vmem>>) attributes {dimension_semantics = [], scalar_prefetch = 0 : i64, scratch_operands = 0 : i64, tpu.core_type = #tpu.core_type<tc>} {
    %get3A = arith.constant 0 : index
    %get3A_0 = arith.constant 0 : index
    %get3A_1 = vector.load %arg0[%get3A, %get3A_0] : memref<4096x32xf32, #tpu.memory_space<vmem>>, vector<4096x32xf32>
    %reduce_sum3A = arith.constant dense<0.000000e+00> : vector<32xf32>
    %reduce_sum3A_2 = vector.multi_reduction <add>, %get3A_1, %reduce_sum3A [0] : vector<4096x32xf32> to vector<32xf32>
    %broadcast_in_dim3A = vector.shape_cast %reduce_sum3A_2 : vector<32xf32> to vector<1x32xf32>
    %get3A_3 = arith.constant 0 : index
    %get3A_4 = arith.constant 0 : index
    %get3A_5 = vector.load %arg1[%get3A_3, %get3A_4] : memref<4096x32xf32, #tpu.memory_space<vmem>>, vector<4096x32xf32>
    %reduce_sum3A_6 = arith.constant dense<0.000000e+00> : vector<32xf32>
    %reduce_sum3A_7 = vector.multi_reduction <add>, %get3A_5, %reduce_sum3A_6 [0] : vector<4096x32xf32> to vector<32xf32>
    %broadcast_in_dim3A_8 = vector.shape_cast %reduce_sum3A_7 : vector<32xf32> to vector<1x32xf32>
    %add3A = arith.addf %broadcast_in_dim3A, %broadcast_in_dim3A_8 : vector<1x32xf32>
    %broadcast_in_dim3A_9 = vector.shape_cast %add3A : vector<1x32xf32> to vector<1x32xf32>
    %broadcast_in_dim3A_10 = vector.broadcast %broadcast_in_dim3A_9 : vector<1x32xf32> to vector<8x32xf32>
    %swap3A = arith.constant 0 : index
    %swap3A_11 = arith.constant 0 : index
    %swap3A_12 = vector.load %arg2[%swap3A, %swap3A_11] : memref<8x32xf32, #tpu.memory_space<vmem>>, vector<8x32xf32>
    tpu.vector_store %arg2[%swap3A, %swap3A_11], %broadcast_in_dim3A_10 {strides = array<i32>} : memref<8x32xf32, #tpu.memory_space<vmem>>, vector<8x32xf32>,
    return
  }
}

</mosaic_0001>

<sc_bundles>
// kernel: kernel.4.cloned.1.call-start
scs
__scs_entry_jumppad:
0x0: {  	(pc) =	sbr.rel $0x88, $3  }
0x1: {  	(tag) =	ssettag $0x0;
	lr =	simm.s32 $0x1  }
0x2: {  	[smem:$0x3F9D] =	sst lr;
	_ =	strace $0xD0000000  }
0x3: {  	_ = 	snop  }
0x4: {  	_ = 	snop  }
0x5: {  	_ = 	snop  }
0x6: {  	_ = 	snop  }
0x7: {  	_ = 	snop  }
__scs_overlays_trampoline_lowered:
0x8: {  	[smem:$0x3FAC] =	sst s0  }
0x9: {  	[smem:$0x3FAD] =	sst s1  }
0xa: {  	[smem:$0x3FAE] =	sst s2  }
0xb: {  	[smem:$0x3FAF] =	sst s3  }
0xc: {  	[smem:$0x3FB0] =	sst s4  }
0xd: {  	[smem:$0x3FB1] =	sst s5  }
0xe: {  	[smem:$0x3FB2] =	sst s6  }
0xf: {  	[smem:$0x3FB3] =	sst s7  }
0x10: {  	[smem:$0x3FB4] =	sst s8  }
0x11: {  	[smem:$0x3FB5] =	sst s9;
	s0 =	simm.s32 @!p0 $0x0  }
0x12: {  	s1 =	sld [smem:$0x3F9B];
	s0 =	simm.s32 @p0 $0x1  }
0x13: {  	[smem:$0x3FB6] =	sst s0;
	s0 =	simm.s32 @!p1 $0x0  }
0x14: {  	s2 =	sld [smem:$0x3F9A];
	s0 =	simm.s32 @p1 $0x1  }
0x15: {  	[smem:$0x3FB7] =	sst s0;
	s0 =	simm.s32 @!p2 $0x0  }
0x16: {  	s3 =	sld [smem:$0x3FDB];
	s0 =	simm.s32 @p2 $0x1  }
0x17: {  	s4 =	simm.s32 $0x1BF5;
	[smem:$0x3FB9] =	sst s0  }
0x18: {  	s0 =	sld [smem:$0x3F9C];
	_ =	swait.ge [sflag:s4], $0x0  }
0x19: {  	s7 =	sld [smem:$0x3F9D]  }
0x1a: {  	s8 =	sadd.s32 $0xFFFFE003, lr  }
0x1b: {  	s9 =	sadd.s32 $0xFFFFFEF7, lr;
	s5 =	simm.s32 $0xFFFFFFFF;
	p2 =	slt.u32 s8, $0xFFFFF086  }
0x1c: {  	p1 =	slt.u32 s9, $0xF7A;
	s5 =	simm.s32 @!p2 $0x0  }
0x1d: {  	s5 =	simm.s32 @p1 $0x1;
	p0 =	seq.s32 s7, s2  }
0x1e: {  	s7 =	smul.u32 @!p0 $0xF7A, s2;
	p2 =	seq.s32 @!p0 s5, $0x0  }
0x1f: {  	s9 =	smul.u32 $0xF7A, s1;
	s8 =	simm.s32 @!p0 $0x1BF5;
	p2 =	por !p2, p0  }
0x20: {  	[sflag:s8] =	ssyncset.s32 @!p0 $0xFFFFF086;
	s6 =	sadd.s32 @!p0 s3, s7;
	s7 =	simm.s32 @!p0 $0x108  }
0x21: {  	s3 =	sadd.s32 s3, s9;
	s6 =	sadd.s32 @!p0 $0x88, s6;
	s7 =	simm.s32 @p2 $0x1082  }
0x22: {  	[simem:s7], [sflag:s8] =	dma.local @!p0 [hbm:s6], $0xF7A  }
0x23: {  	s9 =	sor.u32 $0xD0000000, s2;
	s6 =	simm.s32 $0x108;
	_ =	swait.ge @!p0 [sflag:s8], $0x0  }
0x24: {  	s3 =	sadd.s32 $0x88, s3;
	s6 =	simm.s32 @!p1 $0x1082;
	[sflag:s4] =	ssyncset.s32 $0xFFFFF086  }
0x25: {  	[simem:s6], [sflag:s4] =	dma.local [hbm:s3], $0xF7A  }
0x26: {  	[smem:$0x3F9D] =	sst s1;
	(tag) =	ssettag s2;
	_ =	strace s9  }
0x27: {  	s1 =	sld [smem:$0x3FAD]  }
0x28: {  	s2 =	sld [smem:$0x3FAE]  }
0x29: {  	s4 =	sld [smem:$0x3FB0]  }
0x2a: {  	p0 =	seq.s32 s5, $0x0;
	s5 =	sld [smem:$0x3FB1]  }
0x2b: {  	s6 =	sld [smem:$0x3FB2]  }
0x2c: {  	s7 =	sld [smem:$0x3FB3]  }
0x2d: {  	s3 =	simm.s32 $0x108;
	s8 =	sld [smem:$0x3FB4]  }
0x2e: {  	s3 =	simm.s32 @!p0 $0x1082;
	s9 =	sld [smem:$0x3FB5]  }
0x2f: {  	lr =	sadd.s32 s0, s3;
	s0 =	sld [smem:$0x3FAC]  }
0x30: {  	s3 =	sld [smem:$0x3FAF]  }
0x31: {  	[smem:$0x3FB8] =	sst s10  }
0x32: {  	s10 =	sld [smem:$0x3FB6];
	_ =	sdelay $0x3  }
0x33: {  	p0 =	seq.s32 s10, $0x1;
	s10 =	sld [smem:$0x3FB8];
	_ =	sdelay $0x3  }
0x34: {  	[smem:$0x3FB8] =	sst s10  }
0x35: {  	s10 =	sld [smem:$0x3FB7];
	_ =	sdelay $0x3  }
0x36: {  	p1 =	seq.s32 s10, $0x1;
	s10 =	sld [smem:$0x3FB8];
	_ =	sdelay $0x3  }
0x37: {  	[smem:$0x3FB8] =	sst s10  }
0x38: {  	s10 =	sld [smem:$0x3FB9]  }
0x39: {  	_ = 	snop;
	(pc) =	sbr.ind lr, $3  }
0x3a: {  	_ = 	snop  }
0x3b: {  	_ = 	snop  }
0x3c: {  	p2 =	seq.s32 s10, $0x1;
	s10 =	sld [smem:$0x3FB8]  }
0x3d: {  	_ =	shalt  }
0x3e: {  	_ =	shalt  }
0x3f: {  	_ =	shalt  }
0x40: {  	_ =	shalt  }
0x41: {  	_ =	shalt  }
0x42: {  	_ =	shalt  }
0x43: {  	_ =	shalt  }
0x44: {  	_ =	shalt  }
0x45: {  	_ =	shalt  }
0x46: {  	_ =	shalt  }
0x47: {  	_ =	shalt  }
0x48: {  	_ =	shalt  }
0x49: {  	_ =	shalt  }
0x4a: {  	_ =	shalt  }
0x4b: {  	_ =	shalt  }
0x4c: {  	_ =	shalt  }
0x4d: {  	_ =	shalt  }
0x4e: {  	_ =	shalt  }
0x4f: {  	_ =	shalt  }
0x50: {  	_ =	shalt  }
0x51: {  	_ =	shalt  }
0x52: {  	_ =	shalt  }
0x53: {  	_ =	shalt  }
0x54: {  	_ =	shalt  }
0x55: {  	_ =	shalt  }
0x56: {  	_ =	shalt  }
0x57: {  	_ =	shalt  }
0x58: {  	_ =	shalt  }
0x59: {  	_ =	shalt  }
0x5a: {  	_ =	shalt  }
0x5b: {  	_ =	shalt  }
0x5c: {  	_ =	shalt  }
0x5d: {  	_ =	shalt  }
0x5e: {  	_ =	shalt  }
0x5f: {  	_ =	shalt  }
0x60: {  	_ =	shalt  }
0x61: {  	_ =	shalt  }
0x62: {  	_ =	shalt  }
0x63: {  	_ =	shalt  }
0x64: {  	_ =	shalt  }
0x65: {  	_ =	shalt  }
0x66: {  	_ =	shalt  }
0x67: {  	_ =	shalt  }
0x68: {  	_ =	shalt  }
0x69: {  	_ =	shalt  }
0x6a: {  	_ =	shalt  }
0x6b: {  	_ =	shalt  }
0x6c: {  	_ =	shalt  }
0x6d: {  	_ =	shalt  }
0x6e: {  	_ =	shalt  }
0x6f: {  	_ =	shalt  }
0x70: {  	_ =	shalt  }
0x71: {  	_ =	shalt  }
0x72: {  	_ =	shalt  }
0x73: {  	_ =	shalt  }
0x74: {  	_ =	shalt  }
0x75: {  	_ =	shalt  }
0x76: {  	_ =	shalt  }
0x77: {  	_ =	shalt  }
0x78: {  	_ =	shalt  }
0x79: {  	_ =	shalt  }
0x7a: {  	_ =	shalt  }
0x7b: {  	_ =	shalt  }
0x7c: {  	_ =	shalt  }
0x7d: {  	_ =	shalt  }
0x7e: {  	_ =	shalt  }
0x7f: {  	_ =	shalt  }
0x80: {  	_ =	shalt  }
0x81: {  	_ =	shalt  }
0x82: {  	_ =	shalt  }
0x83: {  	_ =	shalt  }
0x84: {  	_ =	shalt  }
0x85: {  	_ =	shalt  }
0x86: {  	_ =	shalt  }
0x87: {  	_ =	shalt  }
.Lfunc_end0:
.L_simem_size_0:
called_computation_lowered:
.L_overlay_start_0:
0x88: {  	s2 =	sld [smem:$0x3FD9]  }
0x89: {  	s3 =	sld [smem:$0x3FFE];
	_ =	sdelay $0x1  }
0x8a: {  	s1 =	srdreg.scid  }
0x8b: {  	s0 =	sand.u32 $0x1, s1  }
0x8c: {  	s17 =	sshll.u32 s0, $0xA;
	s2 =	sadd.s32 s3, s2  }
0x8d: {  	s2 =	sadd.s32 s2, s17  }
0x8e: {  	[smem:$0x3FC4] =	sst s2  }
0x8f: {  	_ = 	snop  }
0x90: {  	s2 =	sld [smem:$0x3FC9]  }
0x91: {  	s18 =	sld [smem:$0x3FC8];
	(tm) =	ssettm $0x1  }
0x92: {  	s4 =	sld [smem:$0x3FFB];
	_ =	sdelay $0x3  }
0x93: {  	_ =	strace s4  }
0x94: {  	s4 =	sld [smem:$0x3FFC];
	_ =	sdelay $0x3  }
0x95: {  	_ =	strace s4  }
0x96: {  	s4 =	sld [smem:$0x3FFD];
	_ =	sdelay $0x3  }
0x97: {  	_ =	strace s4  }
0x98: {  	_ =	strace $0x8FFFFFFF  }
0x99: {  	s19 =	sld [smem:$0x3FDB];
	_ =	sdelay $0x1  }
0x9a: {  	s5 =	simm.s32 $_scs_section_size  }
0x9b: {  	s6 =	simm.s32 $_size__tile_overlayer_lowered;
	s7 =	simm.s32 $_tile_overlayer_lowered  }
0x9c: {  	s22 =	simm.s32 $0x1BFF;
	s21 =	sshll.u32 s7, $0x1;
	s4 =	sadd.s32 s5, s19  }
0x9d: {  	s8 =	simm.s32 $0x0;
	s20 =	sshll.u32 s6, $0x1;
	s6 =	sadd.s32 s21, s4  }
0x9e: {  	[timem:s8], [sflag:s22] =	dma.local [hbm:s6], s20  }
0x9f: {  	_ =	swait.ge [sflag:s22], s20  }
0xa0: {  	s5 =	ssub.s32 $0x0, s20;
	[sflag:s22] =	ssyncset.done $0x0  }
0xa1: {  	[sflag:s22] =	ssyncadd.s32 s5;
	_ =	sdelay $0x1  }
0xa2: {  	s23 =	simm.s32 $0x1B8B  }
0xa3: {  	_ =	swait.ge [sflag:s23], $0x1  }
0xa4: {  	[sflag:s23] =	ssyncset.done $0x0  }
0xa5: {  	s25 =	simm.s32 $0x1B8E;
	s24 =	sld [smem:$0x3FFE];
	[sflag:s23] =	ssyncadd.s32 $0xFFFFFFFF  }
0xa6: {  	s26 =	simm.s32 $execute0_lowered;
	[smem:$0x3FD2] =	sst s25  }
0xa7: {  	s6 =	sshll.u32 s26, $0x1;
	_ =	strace $0x80000046;
	[dreg:$0x1] =	wrdreg $0xFFFFFFFF  }
0xa8: {  	s28 =	simm.s32 $_size_execute0_lowered;
	s4 =	sadd.s32 s4, s6;
	[dreg:$0x0] =	wrdreg $0x0  }
0xa9: {  	s6 =	sshll.u32 s28, $0x1;
	[dreg:$0x2] =	wrdreg s4  }
0xaa: {  	[dreg:$0x3] =	wrdreg s6  }
0xab: {  	[dreg:$0x4] =	wrdreg $0xC0  }
0xac: {  	_ =	task [dreg:s8], $0x5FFFF  }
0xad: {  	[dreg:$0x1] =	wrdreg $0xFFFFFFFF  }
0xae: {  	[dreg:$0x0] =	wrdreg $0x60  }
0xaf: {  	[dreg:$0x2] =	wrdreg s2  }
0xb0: {  	[dreg:$0x3] =	wrdreg s18  }
0xb1: {  	[dreg:$0x4] =	wrdreg s24  }
0xb2: {  	[dreg:$0x5] =	wrdreg $0x9  }
0xb3: {  	_ =	task.clear_ibuf [dreg:s8], $0x6FFFF;
	_ =	strace $0x90000046  }
0xb4: {  	s29 =	simm.s32 $0x9;
	_ =	strace $0x80000048  }
0xb5: {  	_ =	swait.ge [sflag:s29], $0x1  }
0xb6: {  	[sflag:s29] =	ssyncadd.s32 $0xFFFFFFFF  }
0xb7: {  	_ =	strace $0x90000048  }
0xb8: {  	_ =	sfence  }
0xb9: {  	s30 =	sld [smem:$0x0];
	_ =	sdelay $0x2  }
0xba: {  	s31 =	sshll.u32 s1, $0xD;
	s1 =	sshrl.u32 s1, $0x2  }
0xbb: {  	s3 =	sand.u32 $0x4000, s31;
	s1 =	sadd.s32 s1, s30  }
0xbc: {  	s0 =	sor.u32 s3, s0;
	s1 =	sshll.u32 s1, $0x11  }
0xbd: {  	s0 =	sor.u32 s1, s0  }
0xbe: {  	s0 =	sadd.s32 $0x8F2B, s0  }
0xbf: {  	[sflag:s0] =	ssyncadd.remote.s32 $0x1  }
0xc0: {  	_ =	sfence.sel $0xFFFF  }
0xc1: {  	[dreg:$0x0] =	wrdreg $0xFFFFFFFF;
	(pc) =	sbr.abs _section_cstart, $3  }
0xc2: {  	[dreg:$0x1] =	wrdreg $0xFFFFFFFF  }
0xc3: {  	_ =	task.clear_ibuf [dreg:s8], $0x2FFFF;
	_ =	strace $0x9FFFFFFF  }
0xc4: {  	(tm) =	ssettm $0x7FFFFFFF  }
0xc5: {  	_ =	shalt  }
tec
execute0_lowered:
.L_overlay_start_1:
0x0: {  	(tag) =	ssettag $0x1  }
0x1: {  	s3 =	rddreg [dreg:$0x0];
	s1 =	srdreg.scid  }
0x2: {  	s4 =	rddreg [dreg:$0x1];
	s0 =	stileid.u32  }
0x3: {  	s13 =	rddreg [dreg:$0x2];
	s2 =	simm.s32 $0x0;
	s12 =	sand.u32 $0x1, s1  }
0x4: {  	s5 =	sshll.u32 s0, $0x8;
	[smem:$0x7FF] =	sst s2;
	s6 =	sshll.u32 s12, $0x7  }
0x5: {  	s1 =	rddreg [dreg:$0x3];
	_ =	strace $0x80000047;
	s7 =	sor.u32 s6, s5  }
0x6: {  	s5 =	sshrl.u32 s7, $0x3;
	s6 =	sor.u32 $0x60, s7;
	s8 =	sor.u32 $0x70, s7  }
0x7: {  	v0 =	vlaneseq.u32;
	s3 =	sadd.s32 s3, s5;
	s4 =	sadd.s32 s4, s5;
	s5 =	simm.s32 $0x80  }
0x8: {  	v7 =	vmul.u32 $0x4, v0;
	v0 =	vmov s8;
	[tilespmem:s5], [sflag:$0x1] =	stream.linear.gather [hbm4b:s3+s2], $0x80, $0x38;
	[tilespmem:$0x2180] =	vst v63  }
0x9: {  	s29 =	sor.u32 $0x40, s7;
	s9 =	sor.u32 $0x50, s7;
	v1 =	vmov s6;
	s6 =	simm.s32 $0x1100;
	v0 =	vshll.u32 v0, $0x2  }
0xa: {  	v2 =	vmov s9;
	v1 =	vshll.u32 v1, $0x2;
	v0 =	vor.u32 v7, v0;
	[tilespmem:s6], [sflag:$0x2] =	stream.linear.gather [hbm4b:s4+s2], $0x80, $0x38;
	[tilespmem:$0x2180] =	vst v63  }
0xb: {  	s30 =	sor.u32 $0x30, s7;
	v3 =	vmov s29;
	v2 =	vshll.u32 v2, $0x2;
	v1 =	vor.u32 v7, v1;
	[tilespmem:$0x70] =	vst v0  }
0xc: {  	s31 =	sor.u32 $0x20, s7;
	v4 =	vmov s30;
	v3 =	vshll.u32 v3, $0x2;
	v2 =	vor.u32 v7, v2;
	[tilespmem:$0x60] =	vst v1  }
0xd: {  	v5 =	vmov s31;
	v4 =	vshll.u32 v4, $0x2;
	v3 =	vor.u32 v7, v3;
	[tilespmem:$0x50] =	vst v2  }
0xe: {  	v6 =	vmov s7;
	s7 =	sor.u32 $0x10, s7;
	v5 =	vshll.u32 v5, $0x2;
	v4 =	vor.u32 v7, v4;
	[tilespmem:$0x40] =	vst v3  }
0xf: {  	v6 =	vshll.u32 v6, $0x2;
	v8 =	vmov s7;
	v5 =	vor.u32 v7, v5;
	[tilespmem:$0x30] =	vst v4  }
0x10: {  	v6 =	vor.u32 v7, v6;
	v8 =	vshll.u32 v8, $0x2;
	[tilespmem:$0x20] =	vst v5  }
0x11: {  	v7 =	vor.u32 v7, v8;
	[tilespmem:$0x0] =	vst v6  }
0x12: {  	s7 =	simm.s32 $0x1;
	[tilespmem:$0x10] =	vst v7  }
0x13: {  	_ =	swait.ge [sflag:s7], $0x80  }
0x14: {  	s10 =	simm.s32 $0x100;
	s14 =	ssub.s32 $0x2, s12;
	[sflag:s7] =	ssyncset.done $0x0  }
0x15: {  	s9 =	sadd.s32 $0xC00, s13;
	s8 =	simm.s32 $0x2;
	[sflag:s7] =	ssyncadd.s32 $0xFFFFFF80  }
0x16: {  	[tilespmem:s10], [sflag:$0x1] =	stream.indirect.gather [hbm4b:s9+s5], $0x20, s5, s5, $0xb8;
	[tilespmem:$0x2180] =	vst v63  }
0x17: {  	s15 =	sshrl.u32 s14, $0x1;
	_ =	swait.ge [sflag:s8], $0x80  }
0x18: {  	s11 =	sadd.s32 $0x7E00, s13;
	s15 =	ssub.s32 s14, s15;
	[sflag:s8] =	ssyncset.done $0x0  }
0x19: {  	s12 =	simm.s32 $0x1180;
	s15 =	smax.u32 s15, $0x1;
	[sflag:s8] =	ssyncadd.s32 $0xFFFFFF80  }
0x1a: {  	[tilespmem:s12], [sflag:$0x2] =	stream.indirect.gather [hbm4b:s11+s5], $0x20, s6, s5, $0xb8;
	[tilespmem:$0x2180] =	vst v63  }
0x1b: {  	p0 =	sne.s32 s15, $0x1;
	_ =	swait.ge [sflag:s7], $0x1000  }
.Ltmp0:
0x1c: {  	[sflag:s7] =	ssyncset.done $0x0;
	(pc) =	sbr.rel @!p0 .LBB2_2-.Ltmp0, $4  }
0x1d: {  	s14 =	sadd.s32 $0x22600, s13;
	[sflag:s7] =	ssyncadd.s32 $0xFFFFF000  }
0x1e: {  	[hbm4b:s14+s5] =	stream.indirect.scatter [tilespmem:s10], [sflag:$0x1], $0x20, s2, s5, $0xb8;
	[tilespmem:$0x2180] =	vst v63  }
0x1f: {  	_ =	swait.ge [sflag:s8], $0x1000  }
0x20: {  	s13 =	sadd.s32 $0x12600, s13;
	s15 =	sadd.s32 $0xFFFFFFFF, s15;
	[sflag:s8] =	ssyncset.done $0x0  }
.LBB2_1:
0x21: {  	p0 =	sne.s32 s15, $0x1;
	s15 =	sadd.s32 $0xFFFFFFFF, s15;
	[sflag:s8] =	ssyncadd.s32 $0xFFFFF000  }
0x22: {  	[hbm4b:s13+s5] =	stream.indirect.scatter [tilespmem:s12], [sflag:$0x2], $0x20, s2, s5, $0xb8;
	[tilespmem:$0x2180] =	vst v63  }
0x23: {  	_ =	swait.ge [sflag:s7], $0x1000  }
0x24: {  	[sflag:s7] =	ssyncset.done $0x0  }
0x25: {  	[sflag:s7] =	ssyncadd.s32 $0xFFFFF000  }
0x26: {  	_ =	swait.ge [sflag:s8], $0x1000  }
0x27: {  	[sflag:s8] =	ssyncset.done $0x0  }
0x28: {  	[sflag:s8] =	ssyncadd.s32 $0xFFFFF000  }
0x29: {  	[tilespmem:s5], [sflag:$0x1] =	stream.linear.gather [hbm4b:s3+s2], $0x80, $0x38;
	[tilespmem:$0x2180] =	vst v63  }
0x2a: {  	_ = 	snop  }
0x2b: {  	[tilespmem:s6], [sflag:$0x2] =	stream.linear.gather [hbm4b:s4+s2], $0x80, $0x38;
	[tilespmem:$0x2180] =	vst v63  }
0x2c: {  	[tilespmem:$0x70] =	vst v0  }
0x2d: {  	[tilespmem:$0x60] =	vst v1  }
0x2e: {  	[tilespmem:$0x50] =	vst v2  }
0x2f: {  	[tilespmem:$0x40] =	vst v3  }
0x30: {  	[tilespmem:$0x30] =	vst v4  }
0x31: {  	[tilespmem:$0x20] =	vst v5  }
0x32: {  	[tilespmem:$0x0] =	vst v6  }
0x33: {  	[tilespmem:$0x10] =	vst v7  }
0x34: {  	_ =	swait.ge [sflag:s7], $0x80  }
0x35: {  	[sflag:s7] =	ssyncset.done $0x0  }
0x36: {  	[sflag:s7] =	ssyncadd.s32 $0xFFFFFF80  }
0x37: {  	[tilespmem:s10], [sflag:$0x1] =	stream.indirect.gather [hbm4b:s9+s5], $0x20, s5, s5, $0xb8;
	[tilespmem:$0x2180] =	vst v63  }
0x38: {  	_ =	swait.ge [sflag:s8], $0x80  }
0x39: {  	[sflag:s8] =	ssyncset.done $0x0  }
0x3a: {  	[sflag:s8] =	ssyncadd.s32 $0xFFFFFF80  }
0x3b: {  	[tilespmem:s12], [sflag:$0x2] =	stream.indirect.gather [hbm4b:s11+s5], $0x20, s6, s5, $0xb8;
	[tilespmem:$0x2180] =	vst v63  }
0x3c: {  	_ =	swait.ge [sflag:s7], $0x1000  }
.Ltmp1:
0x3d: {  	[sflag:s7] =	ssyncset.done $0x0;
	(pc) =	sbr.rel @p0 .LBB2_1-.Ltmp1, $4  }
0x3e: {  	[sflag:s7] =	ssyncadd.s32 $0xFFFFF000  }
0x3f: {  	[hbm4b:s14+s5] =	stream.indirect.scatter [tilespmem:s10], [sflag:$0x1], $0x20, s2, s5, $0xb8;
	[tilespmem:$0x2180] =	vst v63  }
0x40: {  	_ =	swait.ge [sflag:s8], $0x1000  }
0x41: {  	[sflag:s8] =	ssyncset.done $0x0  }
.LBB2_2:
0x42: {  	[sflag:s8] =	ssyncadd.s32 $0xFFFFF000  }
0x43: {  	[hbm4b:s13+s5] =	stream.indirect.scatter [tilespmem:s12], [sflag:$0x2], $0x20, s2, s5, $0xb8;
	[tilespmem:$0x2180] =	vst v63  }
0x44: {  	_ =	swait.ge [sflag:s7], $0x1000  }
0x45: {  	[sflag:s7] =	ssyncset.done $0x0  }
0x46: {  	[sflag:s7] =	ssyncadd.s32 $0xFFFFF000  }
0x47: {  	_ =	swait.ge [sflag:s8], $0x1000  }
0x48: {  	[sflag:s8] =	ssyncset.done $0x0  }
0x49: {  	[sflag:s8] =	ssyncadd.s32 $0xFFFFF000  }
0x4a: {  	_ =	sfence.sel $0x180000  }
0x4b: {  	[bflag:$0x0] =	sbarrier.arrive $0xFFFF  }
0x4c: {  	p0 =	sne.s32 s0, $0x0;
	_ =	strace $0x90000047  }
0x4d: {  	s0 =	sadd.s32 @!p0 $0x100000, s1;
	[bflag:$0x2] =	sbarrier.arrive $0xFFFF  }
0x4e: {  	[sflag:s0] =	ssyncadd.tile.s32 @!p0 $0x1;
	_ =	shalt  }
.Lfunc_end2:
_tile_overlayer_lowered:
.L_overlay_start_2:
0x4f: {  	(tag) =	ssettag $0x2  }
0x50: {  	s0 =	rddreg [dreg:$0x0];
	s2 =	stileid.u32  }
0x51: {  	s1 =	rddreg [dreg:$0x1];
	p0 =	sne.s32 s2, $0x0  }
0x52: {  	s3 =	rddreg [dreg:$0x2];
	[bflag:$0x3] =	sbarrier.arrive $0xFFFF;
	s2 =	simm.s32 @!p0 $0x1C03  }
0x53: {  	[timem:s3], [sflag:s2] =	dma.local @!p0 [hbm:s0], s1  }
0x54: {  	s0 =	simm.s32 @!p0 $0x3  }
0x55: {  	_ =	swait.ge @!p0 [sflag:s0], s1  }
0x56: {  	s1 =	ssub.s32 @!p0 $0x0, s1;
	[sflag:s0] =	ssyncset.done @!p0 $0x0  }
0x57: {  	[sflag:s0] =	ssyncadd.s32 @!p0 s1  }
0x58: {  	[bflag:$0x3] =	sbarrier.arrive $0xFFFF  }
0x59: {  	_ =	shalt  }

</sc_bundles>
